<compile_context>
chip_gen: v7x
topology: tpu7x:2x2x1
jax: 0.10.2.dev20260603
libtpu: 0.0.44.dev20260713+nightly
codegen_flags: <defaults>
</compile_context>

<pallas_src>
import functools

import jax
import jax.numpy as jnp
from jax import lax
from jax.experimental import pallas as pl
from jax.experimental.pallas import tpu as pltpu
from jax.experimental.pallas import tpu_sc as plsc

_NC = 2
_NS = 16
_NW = _NC * _NS
_LANES = 16


def _matmul(x, wr, b2, s):
    n, c = x.shape
    co = wr.shape[1] // s

    def body(x_ref, w_ref, b_ref, o_ref):
        z = jnp.dot(x_ref[...], w_ref[...], preferred_element_type=jnp.float32)

        @pl.when(pl.program_id(0) == 0)
        def _():
            o_ref[...] = (z + b_ref[...])[None]

        @pl.when(pl.program_id(0) != 0)
        def _():
            o_ref[...] = z[None]

    return pl.pallas_call(
        body,
        grid=(s,),
        in_specs=[
            pl.BlockSpec((n, c), lambda i: (0, 0)),
            pl.BlockSpec((c, co), lambda i: (0, i)),
            pl.BlockSpec((1, co), lambda i: (0, 0)),
        ],
        out_specs=pl.BlockSpec((1, n, co), lambda i: (i, 0, 0)),
        out_shape=jax.ShapeDtypeStruct((s, n, co), jnp.float32),
    )(x, wr, b2)


def _sc_gather_sum(zf, idxt3, np_, n, s, co, ch):
    blk = s * ch
    mesh = plsc.VectorSubcoreMesh(
        core_axis_name="cx", subcore_axis_name="sx", num_cores=_NC,
        num_subcores=_NS)

    @functools.partial(
        pl.kernel,
        out_type=jax.ShapeDtypeStruct((np_, co), jnp.float32),
        mesh=mesh,
        scratch_types=[
            pltpu.VMEM((blk,), jnp.int32),
            pltpu.VMEM((ch, co), jnp.float32),
            pltpu.SemaphoreType.DMA,
        ],
    )
    def run(z_hbm, idxt_hbm, out_hbm, idx_v, acc_v, sem):
        cid = lax.axis_index("cx")
        sid = lax.axis_index("sx")

        hf = ch // 2

        @pl.when(cid == 0)
        def _():
            pltpu.sync_copy(
                idxt_hbm.at[pl.ds(pl.multiple_of(sid * blk, blk), blk)], idx_v)

            def gouter(sv, _):
                def gbody(i, _):
                    p = sv * ch + i * _LANES
                    idx_v[pl.ds(p, _LANES)] = idx_v[pl.ds(p, _LANES)] + sv * n
                    return 0
                lax.fori_loop(0, ch // _LANES, gbody, 0, unroll=4)
                return 0

            lax.fori_loop(1, s, gouter, 0)

            d0 = pltpu.async_copy(
                z_hbm.at[idx_v.at[pl.ds(0, hf)]], acc_v.at[pl.ds(0, hf)], sem)
            d1 = pltpu.async_copy(
                z_hbm.at[idx_v.at[pl.ds(hf, hf)]], acc_v.at[pl.ds(hf, hf)], sem)
            d0.wait()
            d1.wait()

            def fire(sv, _):
                off = pl.multiple_of(sv * ch, ch)
                pltpu.async_copy(z_hbm.at[idx_v.at[pl.ds(off, hf)]],
                                 acc_v.at[pl.ds(0, hf)], sem, add=True)
                pltpu.async_copy(z_hbm.at[idx_v.at[pl.ds(off + hf, hf)]],
                                 acc_v.at[pl.ds(hf, hf)], sem, add=True)
                return 0

            lax.fori_loop(1, s, fire, 0)

            def drain(sv, _):
                pltpu.make_async_copy(
                    z_hbm.at[pl.ds(0, hf)], acc_v.at[pl.ds(0, hf)], sem).wait()
                return 0

            lax.fori_loop(0, 2 * (s - 1), drain, 0)

            pltpu.sync_copy(
                acc_v, out_hbm.at[pl.ds(pl.multiple_of(sid * ch, ch), ch)])

    return run(zf, idxt3)


def kernel(inputs, indices, W, b):
    batch, n, c = inputs.shape
    n_nodes, s = indices.shape
    co = W.shape[1]

    x = inputs.reshape(n, c)
    wr = W.reshape(s, c, co).transpose(1, 0, 2).reshape(c, s * co)

    z3 = _matmul(x, wr, b.reshape(1, co), s)
    zf = z3.reshape(s * n, co)

    ch = -(-n // _NS)
    ch = -(-ch // _LANES) * _LANES
    np_ = _NS * ch
    idx = indices.astype(jnp.int32)
    idxp = jnp.pad(idx, ((0, np_ - n), (0, 0)))
    idxt3 = idxp.reshape(_NS, ch, s).transpose(0, 2, 1).reshape(-1)

    outp = _sc_gather_sum(zf, idxt3, np_, n, s, co, ch)
    return outp[:n].reshape(batch, n, co)

# --- scband reference (transcript-rebuilt; emitter-appended) ---
"""Pipeline reference for scband-spiral-conv-73315091742996 (READ-ONLY COPY).

The authoritative reference and input builder live on the scoring server;
editing this copy changes nothing except your own understanding.
"""

import jax, jax.numpy as jnp
import numpy as np

N, S, C_IN, C_OUT, B = 10000, 32, 128, 128, 1

def setup_inputs(seed: int = 0) -> dict:
    key = jax.random.key(seed)
    k1, k2, k3 = jax.random.split(key, 3)
    inputs = jax.random.normal(k1, (B, N, C_IN), dtype=jnp.float32)
    indices = jax.random.randint(k2, (N, S), 0, N, dtype=jnp.int32).astype(jnp.int64)
    W = jax.random.normal(k3, (S * C_IN, C_OUT), dtype=jnp.float32) * (1.0 / np.sqrt(S * C_IN))
    b = jnp.zeros((C_OUT,), dtype=jnp.float32)
    return {"inputs": inputs, "indices": indices, "W": W, "b": b}

def reference(inputs, indices, W, b):
    # SpiralConv.call: gather spiral neighborhoods along the vertex axis,
    # flatten each spiral into a single feature vector, then Dense(out_channels).
    batch = inputs.shape[0]
    n_nodes, spiral_len = indices.shape
    c_in = inputs.shape[-1]
    x = jnp.take(inputs, indices.reshape(-1), axis=1)           # [B, N*S, C_in]
    x = x.reshape(batch, n_nodes, spiral_len * c_in)            # [B, N, S*C_in]
    out = jnp.einsum('bnd,do->bno', x, W) + b                    # Dense layer
    return out

if __name__ == "__main__":
    import jax
    _d = setup_inputs()
    print(jax.jit(kernel)(*tuple(_d.values())))

</pallas_src>

<mosaic_0001>
#map = affine_map<(d0, d1) -> (0, 0)>
#map1 = affine_map<(d0, d1) -> (0)>
module attributes {stable_mosaic.version = 14 : i64} {
  func.func @run(%arg0: i32, %arg1: i32, %arg2: memref<320000x128xf32, #tpu.memory_space<hbm>>, %arg3: memref<327680xi32, #tpu.memory_space<hbm>>, %arg4: memref<10240x128xf32, #tpu.memory_space<hbm>>, %arg5: memref<20480xi32, #tpu.memory_space<vmem>>, %arg6: memref<640x128xf32, #tpu.memory_space<vmem>>, %arg7: memref<!tpu.dma_semaphore, #tpu.memory_space<semaphore_mem>>) attributes {dimension_semantics = [#tpu.dimension_semantics<core_parallel>, #tpu.dimension_semantics<subcore_parallel>], iteration_bounds = array<i64: 2, 16>, scalar_prefetch = 0 : i64, scratch_operands = 3 : i64, tpu.core_type = #tpu.core_type<sc_vector_subcore>, window_params = [{transform_indices = #map}, {transform_indices = #map1}, {transform_indices = #map}]} {
    %eq3A = arith.constant 0 : i32
    %eq3A_0 = arith.cmpi eq, %arg0, %eq3A : i32
    %convert_element_type3A = arith.extui %eq3A_0 : i1 to i32
    %cond3A = arith.constant 0 : i32
    %cond3A_1 = arith.cmpi ne, %convert_element_type3A, %cond3A : i32
    scf.if %cond3A_1 {
      %mul3A = arith.constant 20480 : i32
      %mul3A_2 = arith.muli %arg1, %mul3A : i32
      %multiple_of3A = tpu.assume_multiple %mul3A_2, 20480 : i32
      "tpu.region"() ({
        %run_scoped3A = tpu.sem_alloc : memref<!tpu.dma_semaphore, #tpu.memory_space<semaphore_mem>>
        %dma_start3A_56 = tpu.memref_slice %arg3[%multiple_of3A] : memref<327680xi32, #tpu.memory_space<hbm>> -> memref<20480xi32, #tpu.memory_space<hbm>>
        %dma_start3A_57 = tpu.memref_slice %arg3[%multiple_of3A] : memref<327680xi32, #tpu.memory_space<hbm>> -> memref<20480xi32, #tpu.memory_space<hbm>>
        tpu.enqueue_dma source(%dma_start3A_57 : memref<20480xi32, #tpu.memory_space<hbm>>) target(%arg5 : memref<20480xi32, #tpu.memory_space<vmem>>) target_semaphore(%run_scoped3A : memref<!tpu.dma_semaphore, #tpu.memory_space<semaphore_mem>>)
        %dma_wait3A_58 = tpu.memref_slice %arg3[%multiple_of3A] : memref<327680xi32, #tpu.memory_space<hbm>> -> memref<20480xi32, #tpu.memory_space<hbm>>
        %dma_wait3A_59 = tpu.memref_slice %arg3[%multiple_of3A] : memref<327680xi32, #tpu.memory_space<hbm>> -> memref<20480xi32, #tpu.memory_space<hbm>>
        tpu.wait_dma2 semaphore(%run_scoped3A : memref<!tpu.dma_semaphore, #tpu.memory_space<semaphore_mem>>) src(%dma_wait3A_59 : memref<20480xi32, #tpu.memory_space<hbm>>) dst(%arg5 : memref<20480xi32, #tpu.memory_space<vmem>>)
        tpu.yield
      }) : () -> ()
      %scan3A = arith.constant 0 : i32
      %scan3A_3 = arith.constant 1 : i32
      %scan3A_4 = arith.constant 31 : i32
      %scan3A_5 = arith.addi %scan3A_3, %scan3A_4 : i32
      %scan3A_6 = arith.constant 1 : i32
      %scan3A_7 = scf.for %scan3A_56 = %scan3A_3 to %scan3A_5 step %scan3A_6 iter_args(%scan3A_57 = %scan3A) -> (i32)  : i32 {
        %scan3A_58 = arith.constant 0 : i32
        %scan3A_59 = arith.constant 0 : i32
        %scan3A_60 = arith.constant 40 : i32
        %scan3A_61 = arith.addi %scan3A_59, %scan3A_60 : i32
        %scan3A_62 = arith.constant 4 : i32
        %scan3A_63 = scf.for %scan3A_66 = %scan3A_59 to %scan3A_61 step %scan3A_62 iter_args(%scan3A_67 = %scan3A_58) -> (i32)  : i32 {
          %mul3A_68 = arith.constant 640 : i32
          %mul3A_69 = arith.muli %scan3A_56, %mul3A_68 : i32
          %mul3A_70 = arith.constant 16 : i32
          %mul3A_71 = arith.muli %scan3A_66, %mul3A_70 : i32
          %add3A = arith.addi %mul3A_69, %mul3A_71 : i32
          %get3A = arith.index_cast %add3A : i32 to index
          %get3A_72 = tpu.vector_load %arg5[%get3A] {strides = array<i32>} : memref<20480xi32, #tpu.memory_space<vmem>>, vector<16xi32>,
          %get3A_73 = vector.shape_cast %get3A_72 : vector<16xi32> to vector<16xi32>
          %mul3A_74 = arith.constant 10000 : i32
          %mul3A_75 = arith.muli %scan3A_56, %mul3A_74 : i32
          %add3A_76 = vector.broadcast %mul3A_75 : i32 to vector<16xi32>
          %add3A_77 = arith.addi %get3A_73, %add3A_76 : vector<16xi32>
          %swap3A = arith.index_cast %add3A : i32 to index
          %swap3A_78 = tpu.vector_load %arg5[%swap3A] {strides = array<i32>} : memref<20480xi32, #tpu.memory_space<vmem>>, vector<16xi32>,
          %swap3A_79 = vector.shape_cast %swap3A_78 : vector<16xi32> to vector<16xi32>
          %swap3A_80 = vector.shape_cast %add3A_77 : vector<16xi32> to vector<16xi32>
          tpu.vector_store %arg5[%swap3A], %swap3A_80 {strides = array<i32>} : memref<20480xi32, #tpu.memory_space<vmem>>, vector<16xi32>,
          %scan3A_81 = arith.constant 0 : i32
          %scan3A_82 = arith.constant 1 : i32
          %scan3A_83 = arith.addi %scan3A_66, %scan3A_82 : i32
          %mul3A_84 = arith.constant 640 : i32
          %mul3A_85 = arith.muli %scan3A_56, %mul3A_84 : i32
          %mul3A_86 = arith.constant 16 : i32
          %mul3A_87 = arith.muli %scan3A_83, %mul3A_86 : i32
          %add3A_88 = arith.addi %mul3A_85, %mul3A_87 : i32
          %get3A_89 = arith.index_cast %add3A_88 : i32 to index
          %get3A_90 = tpu.vector_load %arg5[%get3A_89] {strides = array<i32>} : memref<20480xi32, #tpu.memory_space<vmem>>, vector<16xi32>,
          %get3A_91 = vector.shape_cast %get3A_90 : vector<16xi32> to vector<16xi32>
          %mul3A_92 = arith.constant 10000 : i32
          %mul3A_93 = arith.muli %scan3A_56, %mul3A_92 : i32
          %add3A_94 = vector.broadcast %mul3A_93 : i32 to vector<16xi32>
          %add3A_95 = arith.addi %get3A_91, %add3A_94 : vector<16xi32>
          %swap3A_96 = arith.index_cast %add3A_88 : i32 to index
          %swap3A_97 = tpu.vector_load %arg5[%swap3A_96] {strides = array<i32>} : memref<20480xi32, #tpu.memory_space<vmem>>, vector<16xi32>,
          %swap3A_98 = vector.shape_cast %swap3A_97 : vector<16xi32> to vector<16xi32>
          %swap3A_99 = vector.shape_cast %add3A_95 : vector<16xi32> to vector<16xi32>
          tpu.vector_store %arg5[%swap3A_96], %swap3A_99 {strides = array<i32>} : memref<20480xi32, #tpu.memory_space<vmem>>, vector<16xi32>,
          %scan3A_100 = arith.constant 0 : i32
          %scan3A_101 = arith.constant 2 : i32
          %scan3A_102 = arith.addi %scan3A_66, %scan3A_101 : i32
          %mul3A_103 = arith.constant 640 : i32
          %mul3A_104 = arith.muli %scan3A_56, %mul3A_103 : i32
          %mul3A_105 = arith.constant 16 : i32
          %mul3A_106 = arith.muli %scan3A_102, %mul3A_105 : i32
          %add3A_107 = arith.addi %mul3A_104, %mul3A_106 : i32
          %get3A_108 = arith.index_cast %add3A_107 : i32 to index
          %get3A_109 = tpu.vector_load %arg5[%get3A_108] {strides = array<i32>} : memref<20480xi32, #tpu.memory_space<vmem>>, vector<16xi32>,
          %get3A_110 = vector.shape_cast %get3A_109 : vector<16xi32> to vector<16xi32>
          %mul3A_111 = arith.constant 10000 : i32
          %mul3A_112 = arith.muli %scan3A_56, %mul3A_111 : i32
          %add3A_113 = vector.broadcast %mul3A_112 : i32 to vector<16xi32>
          %add3A_114 = arith.addi %get3A_110, %add3A_113 : vector<16xi32>
          %swap3A_115 = arith.index_cast %add3A_107 : i32 to index
          %swap3A_116 = tpu.vector_load %arg5[%swap3A_115] {strides = array<i32>} : memref<20480xi32, #tpu.memory_space<vmem>>, vector<16xi32>,
          %swap3A_117 = vector.shape_cast %swap3A_116 : vector<16xi32> to vector<16xi32>
          %swap3A_118 = vector.shape_cast %add3A_114 : vector<16xi32> to vector<16xi32>
          tpu.vector_store %arg5[%swap3A_115], %swap3A_118 {strides = array<i32>} : memref<20480xi32, #tpu.memory_space<vmem>>, vector<16xi32>,
          %scan3A_119 = arith.constant 0 : i32
          %scan3A_120 = arith.constant 3 : i32
          %scan3A_121 = arith.addi %scan3A_66, %scan3A_120 : i32
          %mul3A_122 = arith.constant 640 : i32
          %mul3A_123 = arith.muli %scan3A_56, %mul3A_122 : i32
          %mul3A_124 = arith.constant 16 : i32
          %mul3A_125 = arith.muli %scan3A_121, %mul3A_124 : i32
          %add3A_126 = arith.addi %mul3A_123, %mul3A_125 : i32
          %get3A_127 = arith.index_cast %add3A_126 : i32 to index
          %get3A_128 = tpu.vector_load %arg5[%get3A_127] {strides = array<i32>} : memref<20480xi32, #tpu.memory_space<vmem>>, vector<16xi32>,
          %get3A_129 = vector.shape_cast %get3A_128 : vector<16xi32> to vector<16xi32>
          %mul3A_130 = arith.constant 10000 : i32
          %mul3A_131 = arith.muli %scan3A_56, %mul3A_130 : i32
          %add3A_132 = vector.broadcast %mul3A_131 : i32 to vector<16xi32>
          %add3A_133 = arith.addi %get3A_129, %add3A_132 : vector<16xi32>
          %swap3A_134 = arith.index_cast %add3A_126 : i32 to index
          %swap3A_135 = tpu.vector_load %arg5[%swap3A_134] {strides = array<i32>} : memref<20480xi32, #tpu.memory_space<vmem>>, vector<16xi32>,
          %swap3A_136 = vector.shape_cast %swap3A_135 : vector<16xi32> to vector<16xi32>
          %swap3A_137 = vector.shape_cast %add3A_133 : vector<16xi32> to vector<16xi32>
          tpu.vector_store %arg5[%swap3A_134], %swap3A_137 {strides = array<i32>} : memref<20480xi32, #tpu.memory_space<vmem>>, vector<16xi32>,
          %scan3A_138 = arith.constant 0 : i32
          scf.yield %scan3A_138 : i32
        }
        %scan3A_64 = arith.constant 40 : i32
        %scan3A_65 = arith.constant 0 : i32
        scf.yield %scan3A_65 : i32
      }
      %scan3A_8 = arith.constant 31 : i32
      %dma_start3A = arith.constant 0 : i32
      %dma_start3A_9 = arith.constant 0 : i32
      %dma_start3A_10 = tpu.memref_slice %arg6[%dma_start3A, %dma_start3A_9] : memref<640x128xf32, #tpu.memory_space<vmem>> -> memref<320x128xf32, #tpu.memory_space<vmem>>
      %dma_start3A_11 = arith.constant 0 : i32
      %dma_start3A_12 = tpu.memref_slice %arg5[%dma_start3A_11] : memref<20480xi32, #tpu.memory_space<vmem>> -> memref<320xi32, #tpu.memory_space<vmem>>
      %dma_start3A_13 = arith.constant 0 : i32
      %dma_start3A_14 = arith.constant 0 : i32
      %dma_start3A_15 = tpu.memref_slice %arg2[%dma_start3A_13, %dma_start3A_14] : memref<320000x128xf32, #tpu.memory_space<hbm>> -> memref<320000x128xf32, #tpu.memory_space<hbm>>
      tpu.enqueue_indirect_dma source(%dma_start3A_15 : memref<320000x128xf32, #tpu.memory_space<hbm>>) target(%dma_start3A_10 : memref<320x128xf32, #tpu.memory_space<vmem>>) offsets(%dma_start3A_12 : memref<320xi32, #tpu.memory_space<vmem>>) semaphore(%arg7 : memref<!tpu.dma_semaphore, #tpu.memory_space<semaphore_mem>>)
      %dma_start3A_16 = arith.constant 320 : i32
      %dma_start3A_17 = arith.constant 0 : i32
      %dma_start3A_18 = tpu.memref_slice %arg6[%dma_start3A_16, %dma_start3A_17] : memref<640x128xf32, #tpu.memory_space<vmem>> -> memref<320x128xf32, #tpu.memory_space<vmem>>
      %dma_start3A_19 = arith.constant 320 : i32
      %dma_start3A_20 = tpu.memref_slice %arg5[%dma_start3A_19] : memref<20480xi32, #tpu.memory_space<vmem>> -> memref<320xi32, #tpu.memory_space<vmem>>
      %dma_start3A_21 = arith.constant 0 : i32
      %dma_start3A_22 = arith.constant 0 : i32
      %dma_start3A_23 = tpu.memref_slice %arg2[%dma_start3A_21, %dma_start3A_22] : memref<320000x128xf32, #tpu.memory_space<hbm>> -> memref<320000x128xf32, #tpu.memory_space<hbm>>
      tpu.enqueue_indirect_dma source(%dma_start3A_23 : memref<320000x128xf32, #tpu.memory_space<hbm>>) target(%dma_start3A_18 : memref<320x128xf32, #tpu.memory_space<vmem>>) offsets(%dma_start3A_20 : memref<320xi32, #tpu.memory_space<vmem>>) semaphore(%arg7 : memref<!tpu.dma_semaphore, #tpu.memory_space<semaphore_mem>>)
      %dma_wait3A = arith.constant 0 : i32
      %dma_wait3A_24 = arith.constant 0 : i32
      %dma_wait3A_25 = tpu.memref_slice %arg6[%dma_wait3A, %dma_wait3A_24] : memref<640x128xf32, #tpu.memory_space<vmem>> -> memref<320x128xf32, #tpu.memory_space<vmem>>
      %dma_wait3A_26 = arith.constant 0 : i32
      %dma_wait3A_27 = tpu.memref_slice %arg5[%dma_wait3A_26] : memref<20480xi32, #tpu.memory_space<vmem>> -> memref<320xi32, #tpu.memory_space<vmem>>
      %dma_wait3A_28 = arith.constant 0 : i32
      %dma_wait3A_29 = arith.constant 0 : i32
      %dma_wait3A_30 = tpu.memref_slice %arg2[%dma_wait3A_28, %dma_wait3A_29] : memref<320000x128xf32, #tpu.memory_space<hbm>> -> memref<320000x128xf32, #tpu.memory_space<hbm>>
      tpu.wait_indirect_dma semaphore(%arg7 : memref<!tpu.dma_semaphore, #tpu.memory_space<semaphore_mem>>) src(%dma_wait3A_30 : memref<320000x128xf32, #tpu.memory_space<hbm>>) dst(%dma_wait3A_25 : memref<320x128xf32, #tpu.memory_space<vmem>>)
      %dma_wait3A_31 = arith.constant 320 : i32
      %dma_wait3A_32 = arith.constant 0 : i32
      %dma_wait3A_33 = tpu.memref_slice %arg6[%dma_wait3A_31, %dma_wait3A_32] : memref<640x128xf32, #tpu.memory_space<vmem>> -> memref<320x128xf32, #tpu.memory_space<vmem>>
      %dma_wait3A_34 = arith.constant 320 : i32
      %dma_wait3A_35 = tpu.memref_slice %arg5[%dma_wait3A_34] : memref<20480xi32, #tpu.memory_space<vmem>> -> memref<320xi32, #tpu.memory_space<vmem>>
      %dma_wait3A_36 = arith.constant 0 : i32
      %dma_wait3A_37 = arith.constant 0 : i32
      %dma_wait3A_38 = tpu.memref_slice %arg2[%dma_wait3A_36, %dma_wait3A_37] : memref<320000x128xf32, #tpu.memory_space<hbm>> -> memref<320000x128xf32, #tpu.memory_space<hbm>>
      tpu.wait_indirect_dma semaphore(%arg7 : memref<!tpu.dma_semaphore, #tpu.memory_space<semaphore_mem>>) src(%dma_wait3A_38 : memref<320000x128xf32, #tpu.memory_space<hbm>>) dst(%dma_wait3A_33 : memref<320x128xf32, #tpu.memory_space<vmem>>)
      %scan3A_39 = arith.constant 0 : i32
      %scan3A_40 = arith.constant 1 : i32
      %scan3A_41 = arith.constant 31 : i32
      %scan3A_42 = arith.addi %scan3A_40, %scan3A_41 : i32
      %scan3A_43 = arith.constant 1 : i32
      %scan3A_44 = scf.for %scan3A_56 = %scan3A_40 to %scan3A_42 step %scan3A_43 iter_args(%scan3A_57 = %scan3A_39) -> (i32)  : i32 {
        %mul3A_58 = arith.constant 640 : i32
        %mul3A_59 = arith.muli %scan3A_56, %mul3A_58 : i32
        %multiple_of3A_60 = tpu.assume_multiple %mul3A_59, 640 : i32
        %dma_start3A_61 = arith.constant 0 : i32
        %dma_start3A_62 = arith.constant 0 : i32
        %dma_start3A_63 = tpu.memref_slice %arg6[%dma_start3A_61, %dma_start3A_62] : memref<640x128xf32, #tpu.memory_space<vmem>> -> memref<320x128xf32, #tpu.memory_space<vmem>>
        %dma_start3A_64 = tpu.memref_slice %arg5[%multiple_of3A_60] : memref<20480xi32, #tpu.memory_space<vmem>> -> memref<320xi32, #tpu.memory_space<vmem>>
        %dma_start3A_65 = arith.constant 0 : i32
        %dma_start3A_66 = arith.constant 0 : i32
        %dma_start3A_67 = tpu.memref_slice %arg2[%dma_start3A_65, %dma_start3A_66] : memref<320000x128xf32, #tpu.memory_space<hbm>> -> memref<320000x128xf32, #tpu.memory_space<hbm>>
        tpu.enqueue_indirect_dma source(%dma_start3A_67 : memref<320000x128xf32, #tpu.memory_space<hbm>>) target(%dma_start3A_63 : memref<320x128xf32, #tpu.memory_space<vmem>>) offsets(%dma_start3A_64 : memref<320xi32, #tpu.memory_space<vmem>>) semaphore(%arg7 : memref<!tpu.dma_semaphore, #tpu.memory_space<semaphore_mem>>) {add = true}
        %add3A = arith.constant 320 : i32
        %add3A_68 = arith.addi %multiple_of3A_60, %add3A : i32
        %dma_start3A_69 = arith.constant 320 : i32
        %dma_start3A_70 = arith.constant 0 : i32
        %dma_start3A_71 = tpu.memref_slice %arg6[%dma_start3A_69, %dma_start3A_70] : memref<640x128xf32, #tpu.memory_space<vmem>> -> memref<320x128xf32, #tpu.memory_space<vmem>>
        %dma_start3A_72 = tpu.memref_slice %arg5[%add3A_68] : memref<20480xi32, #tpu.memory_space<vmem>> -> memref<320xi32, #tpu.memory_space<vmem>>
        %dma_start3A_73 = arith.constant 0 : i32
        %dma_start3A_74 = arith.constant 0 : i32
        %dma_start3A_75 = tpu.memref_slice %arg2[%dma_start3A_73, %dma_start3A_74] : memref<320000x128xf32, #tpu.memory_space<hbm>> -> memref<320000x128xf32, #tpu.memory_space<hbm>>
        tpu.enqueue_indirect_dma source(%dma_start3A_75 : memref<320000x128xf32, #tpu.memory_space<hbm>>) target(%dma_start3A_71 : memref<320x128xf32, #tpu.memory_space<vmem>>) offsets(%dma_start3A_72 : memref<320xi32, #tpu.memory_space<vmem>>) semaphore(%arg7 : memref<!tpu.dma_semaphore, #tpu.memory_space<semaphore_mem>>) {add = true}
        %scan3A_76 = arith.constant 0 : i32
        scf.yield %scan3A_76 : i32
      }
      %scan3A_45 = arith.constant 31 : i32
      %scan3A_46 = arith.constant 0 : i32
      %scan3A_47 = arith.constant 0 : i32
      %scan3A_48 = arith.constant 62 : i32
      %scan3A_49 = arith.addi %scan3A_47, %scan3A_48 : i32
      %scan3A_50 = arith.constant 1 : i32
      %scan3A_51 = scf.for %scan3A_56 = %scan3A_47 to %scan3A_49 step %scan3A_50 iter_args(%scan3A_57 = %scan3A_46) -> (i32)  : i32 {
        %dma_wait3A_58 = arith.constant 0 : i32
        %dma_wait3A_59 = arith.constant 0 : i32
        %dma_wait3A_60 = tpu.memref_slice %arg6[%dma_wait3A_58, %dma_wait3A_59] : memref<640x128xf32, #tpu.memory_space<vmem>> -> memref<320x128xf32, #tpu.memory_space<vmem>>
        %dma_wait3A_61 = arith.constant 0 : i32
        %dma_wait3A_62 = arith.constant 0 : i32
        %dma_wait3A_63 = tpu.memref_slice %arg2[%dma_wait3A_61, %dma_wait3A_62] : memref<320000x128xf32, #tpu.memory_space<hbm>> -> memref<320x128xf32, #tpu.memory_space<hbm>>
        %dma_wait3A_64 = arith.constant 0 : i32
        %dma_wait3A_65 = arith.constant 0 : i32
        %dma_wait3A_66 = tpu.memref_slice %arg6[%dma_wait3A_64, %dma_wait3A_65] : memref<640x128xf32, #tpu.memory_space<vmem>> -> memref<320x128xf32, #tpu.memory_space<vmem>>
        %dma_wait3A_67 = arith.constant 0 : i32
        %dma_wait3A_68 = arith.constant 0 : i32
        %dma_wait3A_69 = tpu.memref_slice %arg2[%dma_wait3A_67, %dma_wait3A_68] : memref<320000x128xf32, #tpu.memory_space<hbm>> -> memref<320x128xf32, #tpu.memory_space<hbm>>
        tpu.wait_dma2 semaphore(%arg7 : memref<!tpu.dma_semaphore, #tpu.memory_space<semaphore_mem>>) src(%dma_wait3A_69 : memref<320x128xf32, #tpu.memory_space<hbm>>) dst(%dma_wait3A_66 : memref<320x128xf32, #tpu.memory_space<vmem>>)
        %scan3A_70 = arith.constant 0 : i32
        scf.yield %scan3A_70 : i32
      }
      %scan3A_52 = arith.constant 62 : i32
      %mul3A_53 = arith.constant 640 : i32
      %mul3A_54 = arith.muli %arg1, %mul3A_53 : i32
      %multiple_of3A_55 = tpu.assume_multiple %mul3A_54, 640 : i32
      "tpu.region"() ({
        %run_scoped3A = tpu.sem_alloc : memref<!tpu.dma_semaphore, #tpu.memory_space<semaphore_mem>>
        %dma_start3A_56 = arith.constant 0 : i32
        %dma_start3A_57 = tpu.memref_slice %arg4[%multiple_of3A_55, %dma_start3A_56] : memref<10240x128xf32, #tpu.memory_space<hbm>> -> memref<640x128xf32, #tpu.memory_space<hbm>>
        %dma_start3A_58 = arith.constant 0 : i32
        %dma_start3A_59 = tpu.memref_slice %arg4[%multiple_of3A_55, %dma_start3A_58] : memref<10240x128xf32, #tpu.memory_space<hbm>> -> memref<640x128xf32, #tpu.memory_space<hbm>>
        tpu.enqueue_dma source(%arg6 : memref<640x128xf32, #tpu.memory_space<vmem>>) target(%dma_start3A_59 : memref<640x128xf32, #tpu.memory_space<hbm>>) target_semaphore(%run_scoped3A : memref<!tpu.dma_semaphore, #tpu.memory_space<semaphore_mem>>)
        %dma_wait3A_60 = arith.constant 0 : i32
        %dma_wait3A_61 = tpu.memref_slice %arg4[%multiple_of3A_55, %dma_wait3A_60] : memref<10240x128xf32, #tpu.memory_space<hbm>> -> memref<640x128xf32, #tpu.memory_space<hbm>>
        %dma_wait3A_62 = arith.constant 0 : i32
        %dma_wait3A_63 = tpu.memref_slice %arg4[%multiple_of3A_55, %dma_wait3A_62] : memref<10240x128xf32, #tpu.memory_space<hbm>> -> memref<640x128xf32, #tpu.memory_space<hbm>>
        tpu.wait_dma2 semaphore(%run_scoped3A : memref<!tpu.dma_semaphore, #tpu.memory_space<semaphore_mem>>) src(%arg6 : memref<640x128xf32, #tpu.memory_space<vmem>>) dst(%dma_wait3A_63 : memref<640x128xf32, #tpu.memory_space<hbm>>)
        tpu.yield
      }) : () -> ()
    } else {
    }
    return
  }
}

module attributes {stable_mosaic.version = 14 : i64} {
  func.func @body(%arg0: i32, %arg1: memref<10000x128xf32, #tpu.memory_space<vmem>>, %arg2: memref<128x128xf32, #tpu.memory_space<vmem>>, %arg3: memref<1x128xf32, #tpu.memory_space<vmem>>, %arg4: memref<1x10000x128xf32, #tpu.memory_space<vmem>>) attributes {dimension_semantics = [#tpu.dimension_semantics<arbitrary>], iteration_bounds = array<i64: 32>, scalar_prefetch = 0 : i64, scratch_operands = 0 : i64, tpu.core_type = #tpu.core_type<tc>, window_params = [{pipeline_mode = #tpu.pipeline_mode<synchronous>, transform_indices = @transform_0, window_bounds = array<i64: 10000, 128>}, {transform_indices = @transform_1, window_bounds = array<i64: 128, 128>}, {pipeline_mode = #tpu.pipeline_mode<synchronous>, transform_indices = @transform_2, window_bounds = array<i64: 1, 128>}, {transform_indices = @transform_3, window_bounds = array<i64: 1, 10000, 128>}]} {
    %get3A = arith.constant 0 : index
    %get3A_0 = arith.constant 0 : index
    %get3A_1 = vector.load %arg1[%get3A, %get3A_0] : memref<10000x128xf32, #tpu.memory_space<vmem>>, vector<10000x128xf32>
    %get3A_2 = arith.constant 0 : index
    %get3A_3 = arith.constant 0 : index
    %get3A_4 = vector.load %arg2[%get3A_2, %get3A_3] : memref<128x128xf32, #tpu.memory_space<vmem>>, vector<128x128xf32>
    %dot_general3A = arith.constant dense<0.000000e+00> : vector<10000x128xf32>
    %dot_general3A_5 = tpu.matmul %get3A_1, %get3A_4, %dot_general3A {dimension_numbers = #tpu.dot_dimension_numbers<[1], [0], [0], [1], [0, 0, 1, 1], [], []>, transpose_lhs_hint = false} : vector<10000x128xf32>, vector<128x128xf32>, vector<10000x128xf32> -> vector<10000x128xf32>
    %eq3A = arith.constant 0 : i32
    %eq3A_6 = arith.cmpi eq, %arg0, %eq3A : i32
    %convert_element_type3A = arith.extui %eq3A_6 : i1 to i32
    %cond3A = arith.constant 0 : i32
    %cond3A_7 = arith.cmpi ne, %convert_element_type3A, %cond3A : i32
    scf.if %cond3A_7 {
      %get3A_12 = arith.constant 0 : index
      %get3A_13 = arith.constant 0 : index
      %get3A_14 = vector.load %arg3[%get3A_12, %get3A_13] : memref<1x128xf32, #tpu.memory_space<vmem>>, vector<1x128xf32>
      %add3A = vector.broadcast %get3A_14 : vector<1x128xf32> to vector<10000x128xf32>
      %add3A_15 = arith.addf %dot_general3A_5, %add3A : vector<10000x128xf32>
      %broadcast_in_dim3A = vector.shape_cast %add3A_15 : vector<10000x128xf32> to vector<1x10000x128xf32>
      %swap3A = arith.constant 0 : index
      %swap3A_16 = arith.constant 0 : index
      %swap3A_17 = arith.constant 0 : index
      %swap3A_18 = vector.load %arg4[%swap3A, %swap3A_16, %swap3A_17] : memref<1x10000x128xf32, #tpu.memory_space<vmem>>, vector<1x10000x128xf32>
      tpu.vector_store %arg4[%swap3A, %swap3A_16, %swap3A_17], %broadcast_in_dim3A {strides = array<i32>} : memref<1x10000x128xf32, #tpu.memory_space<vmem>>, vector<1x10000x128xf32>,
    } else {
    }
    %ne3A = arith.constant 0 : i32
    %ne3A_8 = arith.cmpi ne, %arg0, %ne3A : i32
    %convert_element_type3A_9 = arith.extui %ne3A_8 : i1 to i32
    %cond3A_10 = arith.constant 0 : i32
    %cond3A_11 = arith.cmpi ne, %convert_element_type3A_9, %cond3A_10 : i32
    scf.if %cond3A_11 {
      %broadcast_in_dim3A = vector.shape_cast %dot_general3A_5 : vector<10000x128xf32> to vector<1x10000x128xf32>
      %swap3A = arith.constant 0 : index
      %swap3A_12 = arith.constant 0 : index
      %swap3A_13 = arith.constant 0 : index
      %swap3A_14 = vector.load %arg4[%swap3A, %swap3A_12, %swap3A_13] : memref<1x10000x128xf32, #tpu.memory_space<vmem>>, vector<1x10000x128xf32>
      tpu.vector_store %arg4[%swap3A, %swap3A_12, %swap3A_13], %broadcast_in_dim3A {strides = array<i32>} : memref<1x10000x128xf32, #tpu.memory_space<vmem>>, vector<1x10000x128xf32>,
    } else {
    }
    return
  }
  func.func @transform_0(%arg0: i32) -> (i32, i32) {
    %c0_i32 = arith.constant 0 : i32
    %c0_i32_0 = arith.constant 0 : i32
    %c0_i32_1 = arith.constant 0 : i32
    return %c0_i32, %c0_i32_0 : i32, i32
  }
  func.func @transform_1(%arg0: i32) -> (i32, i32) {
    %c0_i32 = arith.constant 0 : i32
    %c0_i32_0 = arith.constant 0 : i32
    return %c0_i32, %arg0 : i32, i32
  }
  func.func @transform_2(%arg0: i32) -> (i32, i32) {
    %c0_i32 = arith.constant 0 : i32
    %c0_i32_0 = arith.constant 0 : i32
    %c0_i32_1 = arith.constant 0 : i32
    return %c0_i32, %c0_i32_0 : i32, i32
  }
  func.func @transform_3(%arg0: i32) -> (i32, i32, i32) {
    %c0_i32 = arith.constant 0 : i32
    %c0_i32_0 = arith.constant 0 : i32
    %c0_i32_1 = arith.constant 0 : i32
    return %arg0, %c0_i32, %c0_i32_0 : i32, i32, i32
  }
}

</mosaic_0001>

<sc_bundles>
// kernel: kernel.4.cloned.1.call-start
scs
__scs_entry_jumppad:
0x0: {  	(pc) =	sbr.rel $0x88, $3  }
0x1: {  	(tag) =	ssettag $0x0;
	lr =	simm.s32 $0x1  }
0x2: {  	[smem:$0x3F9D] =	sst lr;
	_ =	strace $0xD0000000  }
0x3: {  	_ = 	snop  }
0x4: {  	_ = 	snop  }
0x5: {  	_ = 	snop  }
0x6: {  	_ = 	snop  }
0x7: {  	_ = 	snop  }
__scs_overlays_trampoline_lowered:
0x8: {  	[smem:$0x3FAC] =	sst s0  }
0x9: {  	[smem:$0x3FAD] =	sst s1  }
0xa: {  	[smem:$0x3FAE] =	sst s2  }
0xb: {  	[smem:$0x3FAF] =	sst s3  }
0xc: {  	[smem:$0x3FB0] =	sst s4  }
0xd: {  	[smem:$0x3FB1] =	sst s5  }
0xe: {  	[smem:$0x3FB2] =	sst s6  }
0xf: {  	[smem:$0x3FB3] =	sst s7  }
0x10: {  	[smem:$0x3FB4] =	sst s8  }
0x11: {  	[smem:$0x3FB5] =	sst s9;
	s0 =	simm.s32 @!p0 $0x0  }
0x12: {  	s1 =	sld [smem:$0x3F9B];
	s0 =	simm.s32 @p0 $0x1  }
0x13: {  	[smem:$0x3FB6] =	sst s0;
	s0 =	simm.s32 @!p1 $0x0  }
0x14: {  	s2 =	sld [smem:$0x3F9A];
	s0 =	simm.s32 @p1 $0x1  }
0x15: {  	[smem:$0x3FB7] =	sst s0;
	s0 =	simm.s32 @!p2 $0x0  }
0x16: {  	s3 =	sld [smem:$0x3FDB];
	s0 =	simm.s32 @p2 $0x1  }
0x17: {  	s4 =	simm.s32 $0x1BF5;
	[smem:$0x3FB9] =	sst s0  }
0x18: {  	s0 =	sld [smem:$0x3F9C];
	_ =	swait.ge [sflag:s4], $0x0  }
0x19: {  	s7 =	sld [smem:$0x3F9D]  }
0x1a: {  	s8 =	sadd.s32 $0xFFFFE003, lr  }
0x1b: {  	s9 =	sadd.s32 $0xFFFFFEF7, lr;
	s5 =	simm.s32 $0xFFFFFFFF;
	p2 =	slt.u32 s8, $0xFFFFF086  }
0x1c: {  	p1 =	slt.u32 s9, $0xF7A;
	s5 =	simm.s32 @!p2 $0x0  }
0x1d: {  	s5 =	simm.s32 @p1 $0x1;
	p0 =	seq.s32 s7, s2  }
0x1e: {  	s7 =	smul.u32 @!p0 $0xF7A, s2;
	p2 =	seq.s32 @!p0 s5, $0x0  }
0x1f: {  	s9 =	smul.u32 $0xF7A, s1;
	s8 =	simm.s32 @!p0 $0x1BF5;
	p2 =	por !p2, p0  }
0x20: {  	[sflag:s8] =	ssyncset.s32 @!p0 $0xFFFFF086;
	s6 =	sadd.s32 @!p0 s3, s7;
	s7 =	simm.s32 @!p0 $0x108  }
0x21: {  	s3 =	sadd.s32 s3, s9;
	s6 =	sadd.s32 @!p0 $0x88, s6;
	s7 =	simm.s32 @p2 $0x1082  }
0x22: {  	[simem:s7], [sflag:s8] =	dma.local @!p0 [hbm:s6], $0xF7A  }
0x23: {  	s9 =	sor.u32 $0xD0000000, s2;
	s6 =	simm.s32 $0x108;
	_ =	swait.ge @!p0 [sflag:s8], $0x0  }
0x24: {  	s3 =	sadd.s32 $0x88, s3;
	s6 =	simm.s32 @!p1 $0x1082;
	[sflag:s4] =	ssyncset.s32 $0xFFFFF086  }
0x25: {  	[simem:s6], [sflag:s4] =	dma.local [hbm:s3], $0xF7A  }
0x26: {  	[smem:$0x3F9D] =	sst s1;
	(tag) =	ssettag s2;
	_ =	strace s9  }
0x27: {  	s1 =	sld [smem:$0x3FAD]  }
0x28: {  	s2 =	sld [smem:$0x3FAE]  }
0x29: {  	s4 =	sld [smem:$0x3FB0]  }
0x2a: {  	p0 =	seq.s32 s5, $0x0;
	s5 =	sld [smem:$0x3FB1]  }
0x2b: {  	s6 =	sld [smem:$0x3FB2]  }
0x2c: {  	s7 =	sld [smem:$0x3FB3]  }
0x2d: {  	s3 =	simm.s32 $0x108;
	s8 =	sld [smem:$0x3FB4]  }
0x2e: {  	s3 =	simm.s32 @!p0 $0x1082;
	s9 =	sld [smem:$0x3FB5]  }
0x2f: {  	lr =	sadd.s32 s0, s3;
	s0 =	sld [smem:$0x3FAC]  }
0x30: {  	s3 =	sld [smem:$0x3FAF]  }
0x31: {  	[smem:$0x3FB8] =	sst s10  }
0x32: {  	s10 =	sld [smem:$0x3FB6];
	_ =	sdelay $0x3  }
0x33: {  	p0 =	seq.s32 s10, $0x1;
	s10 =	sld [smem:$0x3FB8];
	_ =	sdelay $0x3  }
0x34: {  	[smem:$0x3FB8] =	sst s10  }
0x35: {  	s10 =	sld [smem:$0x3FB7];
	_ =	sdelay $0x3  }
0x36: {  	p1 =	seq.s32 s10, $0x1;
	s10 =	sld [smem:$0x3FB8];
	_ =	sdelay $0x3  }
0x37: {  	[smem:$0x3FB8] =	sst s10  }
0x38: {  	s10 =	sld [smem:$0x3FB9]  }
0x39: {  	_ = 	snop;
	(pc) =	sbr.ind lr, $3  }
0x3a: {  	_ = 	snop  }
0x3b: {  	_ = 	snop  }
0x3c: {  	p2 =	seq.s32 s10, $0x1;
	s10 =	sld [smem:$0x3FB8]  }
0x3d: {  	_ =	shalt  }
0x3e: {  	_ =	shalt  }
0x3f: {  	_ =	shalt  }
0x40: {  	_ =	shalt  }
0x41: {  	_ =	shalt  }
0x42: {  	_ =	shalt  }
0x43: {  	_ =	shalt  }
0x44: {  	_ =	shalt  }
0x45: {  	_ =	shalt  }
0x46: {  	_ =	shalt  }
0x47: {  	_ =	shalt  }
0x48: {  	_ =	shalt  }
0x49: {  	_ =	shalt  }
0x4a: {  	_ =	shalt  }
0x4b: {  	_ =	shalt  }
0x4c: {  	_ =	shalt  }
0x4d: {  	_ =	shalt  }
0x4e: {  	_ =	shalt  }
0x4f: {  	_ =	shalt  }
0x50: {  	_ =	shalt  }
0x51: {  	_ =	shalt  }
0x52: {  	_ =	shalt  }
0x53: {  	_ =	shalt  }
0x54: {  	_ =	shalt  }
0x55: {  	_ =	shalt  }
0x56: {  	_ =	shalt  }
0x57: {  	_ =	shalt  }
0x58: {  	_ =	shalt  }
0x59: {  	_ =	shalt  }
0x5a: {  	_ =	shalt  }
0x5b: {  	_ =	shalt  }
0x5c: {  	_ =	shalt  }
0x5d: {  	_ =	shalt  }
0x5e: {  	_ =	shalt  }
0x5f: {  	_ =	shalt  }
0x60: {  	_ =	shalt  }
0x61: {  	_ =	shalt  }
0x62: {  	_ =	shalt  }
0x63: {  	_ =	shalt  }
0x64: {  	_ =	shalt  }
0x65: {  	_ =	shalt  }
0x66: {  	_ =	shalt  }
0x67: {  	_ =	shalt  }
0x68: {  	_ =	shalt  }
0x69: {  	_ =	shalt  }
0x6a: {  	_ =	shalt  }
0x6b: {  	_ =	shalt  }
0x6c: {  	_ =	shalt  }
0x6d: {  	_ =	shalt  }
0x6e: {  	_ =	shalt  }
0x6f: {  	_ =	shalt  }
0x70: {  	_ =	shalt  }
0x71: {  	_ =	shalt  }
0x72: {  	_ =	shalt  }
0x73: {  	_ =	shalt  }
0x74: {  	_ =	shalt  }
0x75: {  	_ =	shalt  }
0x76: {  	_ =	shalt  }
0x77: {  	_ =	shalt  }
0x78: {  	_ =	shalt  }
0x79: {  	_ =	shalt  }
0x7a: {  	_ =	shalt  }
0x7b: {  	_ =	shalt  }
0x7c: {  	_ =	shalt  }
0x7d: {  	_ =	shalt  }
0x7e: {  	_ =	shalt  }
0x7f: {  	_ =	shalt  }
0x80: {  	_ =	shalt  }
0x81: {  	_ =	shalt  }
0x82: {  	_ =	shalt  }
0x83: {  	_ =	shalt  }
0x84: {  	_ =	shalt  }
0x85: {  	_ =	shalt  }
0x86: {  	_ =	shalt  }
0x87: {  	_ =	shalt  }
.Lfunc_end0:
.L_simem_size_0:
called_computation_lowered:
.L_overlay_start_0:
0x88: {  	s2 =	sld [smem:$0x3FD9]  }
0x89: {  	s3 =	sld [smem:$0x3FFE];
	_ =	sdelay $0x1  }
0x8a: {  	s1 =	srdreg.scid  }
0x8b: {  	s0 =	sand.u32 $0x1, s1  }
0x8c: {  	s17 =	sshll.u32 s0, $0xA;
	s2 =	sadd.s32 s3, s2  }
0x8d: {  	s2 =	sadd.s32 s2, s17  }
0x8e: {  	[smem:$0x3FC4] =	sst s2  }
0x8f: {  	_ = 	snop  }
0x90: {  	s2 =	sld [smem:$0x3FD0];
	(tm) =	ssettm $0x1  }
0x91: {  	s18 =	sld [smem:$0x3FFB];
	_ =	sdelay $0x3  }
0x92: {  	_ =	strace s18  }
0x93: {  	s3 =	sld [smem:$0x3FFC];
	_ =	sdelay $0x3  }
0x94: {  	_ =	strace s3  }
0x95: {  	s3 =	sld [smem:$0x3FFD];
	_ =	sdelay $0x3  }
0x96: {  	_ =	strace s3  }
0x97: {  	_ =	strace $0x8FFFFFFF  }
0x98: {  	s19 =	sld [smem:$0x3FDB];
	_ =	sdelay $0x1  }
0x99: {  	s4 =	simm.s32 $_scs_section_size  }
0x9a: {  	s5 =	simm.s32 $_size__tile_overlayer_lowered;
	s6 =	simm.s32 $_tile_overlayer_lowered  }
0x9b: {  	s22 =	simm.s32 $0x1BFF;
	s21 =	sshll.u32 s6, $0x1;
	s3 =	sadd.s32 s4, s19  }
0x9c: {  	s7 =	simm.s32 $0x0;
	s20 =	sshll.u32 s5, $0x1;
	s5 =	sadd.s32 s21, s3  }
0x9d: {  	[timem:s7], [sflag:s22] =	dma.local [hbm:s5], s20  }
0x9e: {  	_ =	swait.ge [sflag:s22], s20  }
0x9f: {  	s4 =	ssub.s32 $0x0, s20;
	[sflag:s22] =	ssyncset.done $0x0  }
0xa0: {  	[sflag:s22] =	ssyncadd.s32 s4;
	_ =	sdelay $0x1  }
0xa1: {  	s23 =	simm.s32 $0x1B8B  }
0xa2: {  	_ =	swait.ge [sflag:s23], $0x1  }
0xa3: {  	[sflag:s23] =	ssyncset.done $0x0  }
0xa4: {  	s25 =	simm.s32 $0x1B8E;
	s24 =	sld [smem:$0x3FFE];
	[sflag:s23] =	ssyncadd.s32 $0xFFFFFFFF  }
0xa5: {  	s26 =	simm.s32 $execute0_lowered;
	[smem:$0x3FD2] =	sst s25  }
0xa6: {  	s5 =	sshll.u32 s26, $0x1;
	_ =	strace $0x80000046;
	[dreg:$0x1] =	wrdreg $0xFFFFFFFF  }
0xa7: {  	s28 =	simm.s32 $_size_execute0_lowered;
	s3 =	sadd.s32 s3, s5;
	[dreg:$0x0] =	wrdreg $0x0  }
0xa8: {  	s5 =	sshll.u32 s28, $0x1;
	[dreg:$0x2] =	wrdreg s3  }
0xa9: {  	[dreg:$0x3] =	wrdreg s5  }
0xaa: {  	[dreg:$0x4] =	wrdreg $0xC0  }
0xab: {  	_ =	task [dreg:s7], $0x5FFFF  }
0xac: {  	[dreg:$0x1] =	wrdreg $0xFFFFFFFF  }
0xad: {  	[dreg:$0x0] =	wrdreg $0x60  }
0xae: {  	[dreg:$0x2] =	wrdreg s24  }
0xaf: {  	[dreg:$0x3] =	wrdreg s2  }
0xb0: {  	[dreg:$0x4] =	wrdreg $0x9  }
0xb1: {  	_ =	task.clear_ibuf [dreg:s7], $0x5FFFF;
	_ =	strace $0x90000046  }
0xb2: {  	s29 =	simm.s32 $0x9;
	_ =	strace $0x80000048  }
0xb3: {  	_ =	swait.ge [sflag:s29], $0x1  }
0xb4: {  	[sflag:s29] =	ssyncadd.s32 $0xFFFFFFFF  }
0xb5: {  	_ =	strace $0x90000048  }
0xb6: {  	_ =	sfence  }
0xb7: {  	s30 =	sld [smem:$0x0];
	_ =	sdelay $0x2  }
0xb8: {  	s31 =	sshll.u32 s1, $0xD;
	s1 =	sshrl.u32 s1, $0x2  }
0xb9: {  	s3 =	sand.u32 $0x4000, s31;
	s1 =	sadd.s32 s1, s30  }
0xba: {  	s0 =	sor.u32 s3, s0;
	s1 =	sshll.u32 s1, $0x11  }
0xbb: {  	s0 =	sor.u32 s1, s0  }
0xbc: {  	s0 =	sadd.s32 $0x8F2B, s0  }
0xbd: {  	[sflag:s0] =	ssyncadd.remote.s32 $0x1  }
0xbe: {  	_ =	sfence.sel $0xFFFF  }
0xbf: {  	[dreg:$0x0] =	wrdreg $0xFFFFFFFF;
	(pc) =	sbr.abs _section_cstart, $3  }
0xc0: {  	[dreg:$0x1] =	wrdreg $0xFFFFFFFF  }
0xc1: {  	_ =	task.clear_ibuf [dreg:s7], $0x2FFFF;
	_ =	strace $0x9FFFFFFF  }
0xc2: {  	(tm) =	ssettm $0x7FFFFFFF  }
0xc3: {  	_ =	shalt  }
tec
execute0_lowered:
.L_overlay_start_1:
0x0: {  	(tag) =	ssettag $0x1  }
0x1: {  	s1 =	srdreg.scid  }
0x2: {  	s1 =	sand.u32 $0x1, s1  }
0x3: {  	p0 =	seq.s32 s1, $0x1  }
.Ltmp0:
0x4: {  	_ = 	snop;
	(pc) =	sbr.rel @p0 .LBB2_6-.Ltmp0, $4  }
0x5: {  	s2 =	rddreg [dreg:$0x0]  }
0x6: {  	s3 =	rddreg [dreg:$0x1];
	s4 =	simm.s32 $0x0  }
0x7: {  	[smem:$0x7FF] =	sst s4  }
0x8: {  	s0 =	rddreg [dreg:$0x2];
	_ =	strace $0x80000047;
	s1 =	stileid.u32  }
0x9: {  	s5 =	smul.u32 $0xA00, s1;
	_ =	sdelay $0x1  }
0xa: {  	s30 =	simm.s32 $0x2;
	s3 =	sadd.s32 s3, s5  }
0xb: {  	[tilespmem:s4], [sflag:$0x2] =	stream.linear.gather [hbm4b:s3+s4], $0x5000, $0x38;
	[tilespmem:$0x19000] =	vst v63  }
0xc: {  	_ =	swait.ge [sflag:s30], $0x5000  }
0xd: {  	[sflag:s30] =	ssyncset.done $0x0  }
0xe: {  	s4 =	simm.s32 $0x4F0;
	[sflag:s30] =	ssyncadd.s32 $0xFFFFB000  }
0xf: {  	v0 =	vld [tilespmem:s4+$0xFFFFFD90]  }
0x10: {  	v1 =	vld [tilespmem:s4+$0xFFFFFDA0]  }
0x11: {  	v2 =	vld [tilespmem:s4+$0xFFFFFDB0]  }
0x12: {  	v3 =	vld [tilespmem:s4+$0xFFFFFDC0]  }
0x13: {  	s5 =	simm.s32 $0x2710;
	v4 =	vld [tilespmem:s4+$0xFFFFFDD0]  }
0x14: {  	v5 =	vld [tilespmem:s4+$0xFFFFFDE0];
	v0 =	vadd.s32 s5, v0  }
0x15: {  	[tilespmem:s4+$0xFFFFFD90] =	vst v0;
	v0 =	vadd.s32 s5, v1;
	v1 =	vld [tilespmem:s4+$0xFFFFFDF0]  }
0x16: {  	[tilespmem:s4+$0xFFFFFDA0] =	vst v0;
	v0 =	vadd.s32 s5, v2;
	v2 =	vld [tilespmem:s4+$0xFFFFFE00]  }
0x17: {  	[tilespmem:s4+$0xFFFFFDB0] =	vst v0;
	v0 =	vadd.s32 s5, v3;
	v3 =	vld [tilespmem:s4+$0xFFFFFE10]  }
0x18: {  	[tilespmem:s4+$0xFFFFFDC0] =	vst v0;
	v0 =	vadd.s32 s5, v4;
	v4 =	vld [tilespmem:s4+$0xFFFFFE20]  }
0x19: {  	[tilespmem:s4+$0xFFFFFDD0] =	vst v0;
	v0 =	vadd.s32 s5, v5;
	v5 =	vld [tilespmem:s4+$0xFFFFFE30]  }
0x1a: {  	[tilespmem:s4+$0xFFFFFDE0] =	vst v0;
	v0 =	vadd.s32 s5, v1;
	v1 =	vld [tilespmem:s4+$0xFFFFFE40]  }
0x1b: {  	[tilespmem:s4+$0xFFFFFDF0] =	vst v0;
	v0 =	vadd.s32 s5, v2;
	v2 =	vld [tilespmem:s4+$0xFFFFFE50]  }
0x1c: {  	[tilespmem:s4+$0xFFFFFE00] =	vst v0;
	v0 =	vadd.s32 s5, v3;
	v3 =	vld [tilespmem:s4+$0xFFFFFE60]  }
0x1d: {  	[tilespmem:s4+$0xFFFFFE10] =	vst v0;
	v0 =	vadd.s32 s5, v4;
	v4 =	vld [tilespmem:s4+$0xFFFFFE70]  }
0x1e: {  	[tilespmem:s4+$0xFFFFFE20] =	vst v0;
	v0 =	vadd.s32 s5, v5;
	v5 =	vld [tilespmem:s4+$0xFFFFFE80]  }
0x1f: {  	[tilespmem:s4+$0xFFFFFE30] =	vst v0;
	v0 =	vadd.s32 s5, v1;
	v1 =	vld [tilespmem:s4+$0xFFFFFE90]  }
0x20: {  	[tilespmem:s4+$0xFFFFFE40] =	vst v0;
	v0 =	vadd.s32 s5, v2;
	v2 =	vld [tilespmem:s4+$0xFFFFFEA0]  }
0x21: {  	[tilespmem:s4+$0xFFFFFE50] =	vst v0;
	v0 =	vadd.s32 s5, v3;
	v3 =	vld [tilespmem:s4+$0xFFFFFEB0]  }
0x22: {  	[tilespmem:s4+$0xFFFFFE60] =	vst v0;
	v0 =	vadd.s32 s5, v4;
	v4 =	vld [tilespmem:s4+$0xFFFFFEC0]  }
0x23: {  	[tilespmem:s4+$0xFFFFFE70] =	vst v0;
	v0 =	vadd.s32 s5, v5;
	v5 =	vld [tilespmem:s4+$0xFFFFFED0]  }
0x24: {  	[tilespmem:s4+$0xFFFFFE80] =	vst v0;
	v0 =	vadd.s32 s5, v1;
	v1 =	vld [tilespmem:s4+$0xFFFFFEE0]  }
0x25: {  	[tilespmem:s4+$0xFFFFFE90] =	vst v0;
	v0 =	vadd.s32 s5, v2;
	v2 =	vld [tilespmem:s4+$0xFFFFFEF0]  }
0x26: {  	[tilespmem:s4+$0xFFFFFEA0] =	vst v0;
	v0 =	vadd.s32 s5, v3;
	v3 =	vld [tilespmem:s4+$0xFFFFFF00]  }
0x27: {  	[tilespmem:s4+$0xFFFFFEB0] =	vst v0;
	v0 =	vadd.s32 s5, v4;
	v4 =	vld [tilespmem:s4+$0xFFFFFF10]  }
0x28: {  	[tilespmem:s4+$0xFFFFFEC0] =	vst v0;
	v0 =	vadd.s32 s5, v5;
	v5 =	vld [tilespmem:s4+$0xFFFFFF20]  }
0x29: {  	[tilespmem:s4+$0xFFFFFED0] =	vst v0;
	v0 =	vadd.s32 s5, v1;
	v1 =	vld [tilespmem:s4+$0xFFFFFF30]  }
0x2a: {  	[tilespmem:s4+$0xFFFFFEE0] =	vst v0;
	v0 =	vadd.s32 s5, v2;
	v2 =	vld [tilespmem:s4+$0xFFFFFF40]  }
0x2b: {  	[tilespmem:s4+$0xFFFFFEF0] =	vst v0;
	v0 =	vadd.s32 s5, v3;
	v3 =	vld [tilespmem:s4+$0xFFFFFF50]  }
0x2c: {  	[tilespmem:s4+$0xFFFFFF00] =	vst v0;
	v0 =	vadd.s32 s5, v4;
	v4 =	vld [tilespmem:s4+$0xFFFFFF60]  }
0x2d: {  	[tilespmem:s4+$0xFFFFFF10] =	vst v0;
	v0 =	vadd.s32 s5, v5;
	v5 =	vld [tilespmem:s4+$0xFFFFFF70]  }
0x2e: {  	v6 =	vld [tilespmem:s4+$0xFFFFFF80];
	[tilespmem:s4+$0xFFFFFF20] =	vst v0;
	v0 =	vadd.s32 s5, v1  }
0x2f: {  	v7 =	vld [tilespmem:s4+$0xFFFFFF90];
	[tilespmem:s4+$0xFFFFFF30] =	vst v0;
	v0 =	vadd.s32 s5, v2  }
0x30: {  	v8 =	vld [tilespmem:s4+$0xFFFFFFA0];
	[tilespmem:s4+$0xFFFFFF40] =	vst v0;
	v0 =	vadd.s32 s5, v3  }
0x31: {  	v1 =	vld [tilespmem:s4+$0xFFFFFFB0];
	[tilespmem:s4+$0xFFFFFF50] =	vst v0;
	v0 =	vadd.s32 s5, v4  }
0x32: {  	s6 =	smul.u32 $0x2800, s1;
	[tilespmem:s4+$0xFFFFFF60] =	vst v0;
	v2 =	vadd.s32 s5, v5;
	v0 =	vld [tilespmem:s4+$0xFFFFFFC0]  }
0x33: {  	v3 =	vadd.s32 s5, v6;
	[tilespmem:s4+$0xFFFFFF70] =	vst v2;
	v2 =	vld [tilespmem:s4+$0xFFFFFFD0]  }
0x34: {  	s7 =	simm.s32 $0x4F0;
	s31 =	sadd.s32 s6, s2;
	[tilespmem:s4+$0xFFFFFF80] =	vst v3;
	v4 =	vadd.s32 s5, v7;
	v3 =	vld [tilespmem:s4+$0xFFFFFFE0]  }
0x35: {  	s6 =	simm.s32 $0x4E20;
	s3 =	sadd.s32 $0x1000, s2;
	s2 =	sadd.s32 $0x4E3000, s31;
	[tilespmem:s4+$0xFFFFFF90] =	vst v4;
	v5 =	vadd.s32 s5, v8;
	v4 =	vld [tilespmem:s4+$0x0]  }
.LBB2_2:
0x36: {  	p0 =	sne.s32 s6, $0x4BAF0;
	[tilespmem:s4+$0xFFFFFFA0] =	vst v5;
	v1 =	vadd.s32 s5, v1;
	v5 =	vld [tilespmem:s4+$0xFFFFFFF0];
	s7 =	sadd.s32 $0x280, s7  }
0x37: {  	v6 =	vld [tilespmem:s7+$0xFFFFFD90];
	[tilespmem:s4+$0xFFFFFFB0] =	vst v1;
	v0 =	vadd.s32 s5, v0  }
0x38: {  	v1 =	vld [tilespmem:s7+$0xFFFFFDA0];
	[tilespmem:s4+$0xFFFFFFC0] =	vst v0;
	v0 =	vadd.s32 s5, v2  }
0x39: {  	v2 =	vld [tilespmem:s7+$0xFFFFFDB0];
	[tilespmem:s4+$0xFFFFFFD0] =	vst v0;
	v0 =	vadd.s32 s5, v3  }
0x3a: {  	v3 =	vld [tilespmem:s7+$0xFFFFFDC0];
	[tilespmem:s4+$0xFFFFFFE0] =	vst v0;
	v0 =	vadd.s32 s5, v4  }
0x3b: {  	v4 =	vld [tilespmem:s7+$0xFFFFFDD0];
	v5 =	vadd.s32 s5, v5;
	[tilespmem:s4+$0x0] =	vst v0;
	s5 =	smov.u32 s6  }
0x3c: {  	v0 =	vadd.s32 s6, v6;
	v6 =	vld [tilespmem:s7+$0xFFFFFDE0];
	[tilespmem:s4+$0xFFFFFFF0] =	vst v5;
	s4 =	smov.u32 s7  }
0x3d: {  	[tilespmem:s7+$0xFFFFFD90] =	vst v0;
	v0 =	vadd.s32 s6, v1;
	v1 =	vld [tilespmem:s7+$0xFFFFFDF0]  }
0x3e: {  	[tilespmem:s7+$0xFFFFFDA0] =	vst v0;
	v0 =	vadd.s32 s6, v2;
	v2 =	vld [tilespmem:s7+$0xFFFFFE00]  }
0x3f: {  	[tilespmem:s7+$0xFFFFFDB0] =	vst v0;
	v0 =	vadd.s32 s6, v3;
	v3 =	vld [tilespmem:s7+$0xFFFFFE10]  }
0x40: {  	[tilespmem:s7+$0xFFFFFDC0] =	vst v0;
	v0 =	vadd.s32 s6, v4;
	v4 =	vld [tilespmem:s7+$0xFFFFFE20]  }
0x41: {  	[tilespmem:s7+$0xFFFFFDD0] =	vst v0;
	v0 =	vadd.s32 s6, v6;
	v5 =	vld [tilespmem:s7+$0xFFFFFE30]  }
0x42: {  	[tilespmem:s7+$0xFFFFFDE0] =	vst v0;
	v0 =	vadd.s32 s6, v1;
	v1 =	vld [tilespmem:s7+$0xFFFFFE40]  }
0x43: {  	[tilespmem:s7+$0xFFFFFDF0] =	vst v0;
	v0 =	vadd.s32 s6, v2;
	v2 =	vld [tilespmem:s7+$0xFFFFFE50]  }
0x44: {  	[tilespmem:s7+$0xFFFFFE00] =	vst v0;
	v0 =	vadd.s32 s6, v3;
	v3 =	vld [tilespmem:s7+$0xFFFFFE60]  }
0x45: {  	[tilespmem:s7+$0xFFFFFE10] =	vst v0;
	v0 =	vadd.s32 s6, v4;
	v4 =	vld [tilespmem:s7+$0xFFFFFE70]  }
0x46: {  	[tilespmem:s7+$0xFFFFFE20] =	vst v0;
	v0 =	vadd.s32 s6, v5;
	v5 =	vld [tilespmem:s7+$0xFFFFFE80]  }
0x47: {  	[tilespmem:s7+$0xFFFFFE30] =	vst v0;
	v0 =	vadd.s32 s6, v1;
	v1 =	vld [tilespmem:s7+$0xFFFFFE90]  }
0x48: {  	[tilespmem:s7+$0xFFFFFE40] =	vst v0;
	v0 =	vadd.s32 s6, v2;
	v2 =	vld [tilespmem:s7+$0xFFFFFEA0]  }
0x49: {  	[tilespmem:s7+$0xFFFFFE50] =	vst v0;
	v0 =	vadd.s32 s6, v3;
	v3 =	vld [tilespmem:s7+$0xFFFFFEB0]  }
0x4a: {  	[tilespmem:s7+$0xFFFFFE60] =	vst v0;
	v0 =	vadd.s32 s6, v4;
	v4 =	vld [tilespmem:s7+$0xFFFFFEC0]  }
0x4b: {  	[tilespmem:s7+$0xFFFFFE70] =	vst v0;
	v0 =	vadd.s32 s6, v5;
	v5 =	vld [tilespmem:s7+$0xFFFFFED0]  }
0x4c: {  	[tilespmem:s7+$0xFFFFFE80] =	vst v0;
	v0 =	vadd.s32 s6, v1;
	v1 =	vld [tilespmem:s7+$0xFFFFFEE0]  }
0x4d: {  	[tilespmem:s7+$0xFFFFFE90] =	vst v0;
	v0 =	vadd.s32 s6, v2;
	v2 =	vld [tilespmem:s7+$0xFFFFFEF0]  }
0x4e: {  	[tilespmem:s7+$0xFFFFFEA0] =	vst v0;
	v0 =	vadd.s32 s6, v3;
	v3 =	vld [tilespmem:s7+$0xFFFFFF00]  }
0x4f: {  	[tilespmem:s7+$0xFFFFFEB0] =	vst v0;
	v0 =	vadd.s32 s6, v4;
	v4 =	vld [tilespmem:s7+$0xFFFFFF10]  }
0x50: {  	[tilespmem:s7+$0xFFFFFEC0] =	vst v0;
	v0 =	vadd.s32 s6, v5;
	v5 =	vld [tilespmem:s7+$0xFFFFFF20]  }
0x51: {  	[tilespmem:s7+$0xFFFFFED0] =	vst v0;
	v0 =	vadd.s32 s6, v1;
	v1 =	vld [tilespmem:s7+$0xFFFFFF30]  }
0x52: {  	[tilespmem:s7+$0xFFFFFEE0] =	vst v0;
	v0 =	vadd.s32 s6, v2;
	v2 =	vld [tilespmem:s7+$0xFFFFFF40]  }
0x53: {  	[tilespmem:s7+$0xFFFFFEF0] =	vst v0;
	v0 =	vadd.s32 s6, v3;
	v3 =	vld [tilespmem:s7+$0xFFFFFF50]  }
0x54: {  	[tilespmem:s7+$0xFFFFFF00] =	vst v0;
	v0 =	vadd.s32 s6, v4;
	v4 =	vld [tilespmem:s7+$0xFFFFFF60]  }
0x55: {  	[tilespmem:s7+$0xFFFFFF10] =	vst v0;
	v0 =	vadd.s32 s6, v5;
	v5 =	vld [tilespmem:s7+$0xFFFFFF70]  }
0x56: {  	[tilespmem:s7+$0xFFFFFF20] =	vst v0;
	v0 =	vadd.s32 s6, v1;
	v6 =	vld [tilespmem:s7+$0xFFFFFF80]  }
0x57: {  	[tilespmem:s7+$0xFFFFFF30] =	vst v0;
	v0 =	vadd.s32 s6, v2;
	v7 =	vld [tilespmem:s7+$0xFFFFFF90]  }
0x58: {  	[tilespmem:s7+$0xFFFFFF40] =	vst v0;
	v0 =	vadd.s32 s6, v3;
	v8 =	vld [tilespmem:s7+$0xFFFFFFA0]  }
.Ltmp1:
0x59: {  	[tilespmem:s7+$0xFFFFFF50] =	vst v0;
	v0 =	vadd.s32 s6, v4;
	v1 =	vld [tilespmem:s7+$0xFFFFFFB0];
	(pc) =	sbr.rel @p0 .LBB2_2-.Ltmp1, $4  }
0x5a: {  	[tilespmem:s7+$0xFFFFFF60] =	vst v0;
	v2 =	vadd.s32 s6, v5;
	v0 =	vld [tilespmem:s7+$0xFFFFFFC0]  }
0x5b: {  	[tilespmem:s7+$0xFFFFFF70] =	vst v2;
	v3 =	vadd.s32 s6, v6;
	v2 =	vld [tilespmem:s7+$0xFFFFFFD0]  }
0x5c: {  	[tilespmem:s7+$0xFFFFFF80] =	vst v3;
	v4 =	vadd.s32 s6, v7;
	v3 =	vld [tilespmem:s7+$0xFFFFFFE0]  }
0x5d: {  	s6 =	sadd.s32 $0x2710, s6;
	[tilespmem:s7+$0xFFFFFF90] =	vst v4;
	v5 =	vadd.s32 s5, v8;
	v4 =	vld [tilespmem:s7+$0x0]  }
0x5e: {  	[tilespmem:s4+$0xFFFFFFA0] =	vst v5;
	v1 =	vadd.s32 s5, v1;
	v59 =	vld [tilespmem:s4+$0xFFFFFFF0]  }
0x5f: {  	[tilespmem:s4+$0xFFFFFFB0] =	vst v1;
	v0 =	vadd.s32 s5, v0  }
0x60: {  	[tilespmem:s4+$0xFFFFFFC0] =	vst v0;
	v60 =	vadd.s32 s5, v2  }
0x61: {  	[tilespmem:s4+$0xFFFFFFD0] =	vst v60;
	v61 =	vadd.s32 s5, v3  }
0x62: {  	[tilespmem:s4+$0xFFFFFFE0] =	vst v61;
	v62 =	vadd.s32 s5, v4  }
0x63: {  	v63 =	vadd.s32 s5, v59;
	[tilespmem:s4+$0x0] =	vst v62  }
0x64: {  	s13 =	simm.s32 $0x0;
	s6 =	simm.s32 $0x5000;
	s5 =	simm.s32 $0x140;
	[tilespmem:s4+$0xFFFFFFF0] =	vst v63  }
0x65: {  	[tilespmem:s6], [sflag:$0x1] =	stream.indirect.gather [hbm4b:s3+s5], $0x80, s13, s5, $0xb8;
	[tilespmem:$0x19000] =	vst v63  }
0x66: {  	s7 =	simm.s32 $0xF000;
	s4 =	simm.s32 $0x1  }
0x67: {  	[tilespmem:s7], [sflag:$0x1] =	stream.indirect.gather [hbm4b:s3+s5], $0x80, s5, s5, $0xb8;
	[tilespmem:$0x19000] =	vst v63  }
0x68: {  	_ =	swait.ge [sflag:s4], $0xA000  }
0x69: {  	[sflag:s4] =	ssyncset.done $0x0  }
0x6a: {  	[sflag:s4] =	ssyncadd.s32 $0xFFFF6000  }
0x6b: {  	_ =	swait.ge [sflag:s4], $0xA000  }
0x6c: {  	[sflag:s4] =	ssyncset.done $0x0  }
0x6d: {  	s8 =	simm.s32 $0x280;
	[sflag:s4] =	ssyncadd.s32 $0xFFFF6000  }
0x6e: {  	[tilespmem:s6], [sflag:$0x1] =	stream.indirect.gather.add.f32 [hbm:s3], $0x80, s8, s5, $0xb8;
	[tilespmem:$0x19000] =	vst v63  }
0x6f: {  	s14 =	simm.s32 $0x3C0  }
0x70: {  	[tilespmem:s7], [sflag:$0x1] =	stream.indirect.gather.add.f32 [hbm:s3], $0x80, s14, s5, $0xb8;
	[tilespmem:$0x19000] =	vst v63  }
0x71: {  	s15 =	simm.s32 $0x500  }
0x72: {  	[tilespmem:s6], [sflag:$0x1] =	stream.indirect.gather.add.f32 [hbm:s3], $0x80, s15, s5, $0xb8;
	[tilespmem:$0x19000] =	vst v63  }
0x73: {  	s16 =	simm.s32 $0x640  }
0x74: {  	[tilespmem:s7], [sflag:$0x1] =	stream.indirect.gather.add.f32 [hbm:s3], $0x80, s16, s5, $0xb8;
	[tilespmem:$0x19000] =	vst v63  }
0x75: {  	s17 =	simm.s32 $0x780  }
0x76: {  	[tilespmem:s6], [sflag:$0x1] =	stream.indirect.gather.add.f32 [hbm:s3], $0x80, s17, s5, $0xb8;
	[tilespmem:$0x19000] =	vst v63  }
0x77: {  	s18 =	simm.s32 $0x8C0  }
0x78: {  	[tilespmem:s7], [sflag:$0x1] =	stream.indirect.gather.add.f32 [hbm:s3], $0x80, s18, s5, $0xb8;
	[tilespmem:$0x19000] =	vst v63  }
0x79: {  	s19 =	simm.s32 $0xA00  }
0x7a: {  	[tilespmem:s6], [sflag:$0x1] =	stream.indirect.gather.add.f32 [hbm:s3], $0x80, s19, s5, $0xb8;
	[tilespmem:$0x19000] =	vst v63  }
0x7b: {  	s20 =	simm.s32 $0xB40  }
0x7c: {  	[tilespmem:s7], [sflag:$0x1] =	stream.indirect.gather.add.f32 [hbm:s3], $0x80, s20, s5, $0xb8;
	[tilespmem:$0x19000] =	vst v63  }
0x7d: {  	s21 =	simm.s32 $0xC80  }
0x7e: {  	[tilespmem:s6], [sflag:$0x1] =	stream.indirect.gather.add.f32 [hbm:s3], $0x80, s21, s5, $0xb8;
	[tilespmem:$0x19000] =	vst v63  }
0x7f: {  	s22 =	simm.s32 $0xDC0  }
0x80: {  	[tilespmem:s7], [sflag:$0x1] =	stream.indirect.gather.add.f32 [hbm:s3], $0x80, s22, s5, $0xb8;
	[tilespmem:$0x19000] =	vst v63  }
0x81: {  	s23 =	simm.s32 $0xF00  }
0x82: {  	[tilespmem:s6], [sflag:$0x1] =	stream.indirect.gather.add.f32 [hbm:s3], $0x80, s23, s5, $0xb8;
	[tilespmem:$0x19000] =	vst v63  }
0x83: {  	s24 =	simm.s32 $0x1040  }
0x84: {  	[tilespmem:s7], [sflag:$0x1] =	stream.indirect.gather.add.f32 [hbm:s3], $0x80, s24, s5, $0xb8;
	[tilespmem:$0x19000] =	vst v63  }
0x85: {  	s25 =	simm.s32 $0x1180  }
0x86: {  	[tilespmem:s6], [sflag:$0x1] =	stream.indirect.gather.add.f32 [hbm:s3], $0x80, s25, s5, $0xb8;
	[tilespmem:$0x19000] =	vst v63  }
0x87: {  	s26 =	simm.s32 $0x12C0  }
0x88: {  	[tilespmem:s7], [sflag:$0x1] =	stream.indirect.gather.add.f32 [hbm:s3], $0x80, s26, s5, $0xb8;
	[tilespmem:$0x19000] =	vst v63  }
0x89: {  	s28 =	simm.s32 $0x1400  }
0x8a: {  	[tilespmem:s6], [sflag:$0x1] =	stream.indirect.gather.add.f32 [hbm:s3], $0x80, s28, s5, $0xb8;
	[tilespmem:$0x19000] =	vst v63  }
0x8b: {  	s29 =	simm.s32 $0x1540  }
0x8c: {  	[tilespmem:s7], [sflag:$0x1] =	stream.indirect.gather.add.f32 [hbm:s3], $0x80, s29, s5, $0xb8;
	[tilespmem:$0x19000] =	vst v63  }
0x8d: {  	s30 =	simm.s32 $0x1680  }
0x8e: {  	[tilespmem:s6], [sflag:$0x1] =	stream.indirect.gather.add.f32 [hbm:s3], $0x80, s30, s5, $0xb8;
	[tilespmem:$0x19000] =	vst v63  }
0x8f: {  	s31 =	simm.s32 $0x17C0  }
0x90: {  	[tilespmem:s7], [sflag:$0x1] =	stream.indirect.gather.add.f32 [hbm:s3], $0x80, s31, s5, $0xb8;
	[tilespmem:$0x19000] =	vst v63  }
0x91: {  	s9 =	simm.s32 $0x1900  }
0x92: {  	[tilespmem:s6], [sflag:$0x1] =	stream.indirect.gather.add.f32 [hbm:s3], $0x80, s9, s5, $0xb8;
	[tilespmem:$0x19000] =	vst v63  }
0x93: {  	s10 =	simm.s32 $0x1A40  }
0x94: {  	[tilespmem:s7], [sflag:$0x1] =	stream.indirect.gather.add.f32 [hbm:s3], $0x80, s10, s5, $0xb8;
	[tilespmem:$0x19000] =	vst v63  }
0x95: {  	s11 =	simm.s32 $0x1B80  }
0x96: {  	[tilespmem:s6], [sflag:$0x1] =	stream.indirect.gather.add.f32 [hbm:s3], $0x80, s11, s5, $0xb8;
	[tilespmem:$0x19000] =	vst v63  }
0x97: {  	s12 =	simm.s32 $0x1CC0  }
0x98: {  	[tilespmem:s7], [sflag:$0x1] =	stream.indirect.gather.add.f32 [hbm:s3], $0x80, s12, s5, $0xb8;
	[tilespmem:$0x19000] =	vst v63  }
0x99: {  	s13 =	simm.s32 $0x1E00  }
0x9a: {  	[tilespmem:s6], [sflag:$0x1] =	stream.indirect.gather.add.f32 [hbm:s3], $0x80, s13, s5, $0xb8;
	[tilespmem:$0x19000] =	vst v63  }
0x9b: {  	s14 =	simm.s32 $0x1F40  }
0x9c: {  	[tilespmem:s7], [sflag:$0x1] =	stream.indirect.gather.add.f32 [hbm:s3], $0x80, s14, s5, $0xb8;
	[tilespmem:$0x19000] =	vst v63  }
0x9d: {  	s15 =	simm.s32 $0x2080  }
0x9e: {  	[tilespmem:s6], [sflag:$0x1] =	stream.indirect.gather.add.f32 [hbm:s3], $0x80, s15, s5, $0xb8;
	[tilespmem:$0x19000] =	vst v63  }
0x9f: {  	s16 =	simm.s32 $0x21C0  }
0xa0: {  	[tilespmem:s7], [sflag:$0x1] =	stream.indirect.gather.add.f32 [hbm:s3], $0x80, s16, s5, $0xb8;
	[tilespmem:$0x19000] =	vst v63  }
0xa1: {  	s17 =	simm.s32 $0x2300  }
0xa2: {  	[tilespmem:s6], [sflag:$0x1] =	stream.indirect.gather.add.f32 [hbm:s3], $0x80, s17, s5, $0xb8;
	[tilespmem:$0x19000] =	vst v63  }
0xa3: {  	s18 =	simm.s32 $0x2440  }
0xa4: {  	[tilespmem:s7], [sflag:$0x1] =	stream.indirect.gather.add.f32 [hbm:s3], $0x80, s18, s5, $0xb8;
	[tilespmem:$0x19000] =	vst v63  }
0xa5: {  	s19 =	simm.s32 $0x2580  }
0xa6: {  	[tilespmem:s6], [sflag:$0x1] =	stream.indirect.gather.add.f32 [hbm:s3], $0x80, s19, s5, $0xb8;
	[tilespmem:$0x19000] =	vst v63  }
0xa7: {  	s20 =	simm.s32 $0x26C0  }
0xa8: {  	[tilespmem:s7], [sflag:$0x1] =	stream.indirect.gather.add.f32 [hbm:s3], $0x80, s20, s5, $0xb8;
	[tilespmem:$0x19000] =	vst v63  }
0xa9: {  	s21 =	simm.s32 $0x2800  }
0xaa: {  	[tilespmem:s6], [sflag:$0x1] =	stream.indirect.gather.add.f32 [hbm:s3], $0x80, s21, s5, $0xb8;
	[tilespmem:$0x19000] =	vst v63  }
0xab: {  	s22 =	simm.s32 $0x2940  }
0xac: {  	[tilespmem:s7], [sflag:$0x1] =	stream.indirect.gather.add.f32 [hbm:s3], $0x80, s22, s5, $0xb8;
	[tilespmem:$0x19000] =	vst v63  }
0xad: {  	s23 =	simm.s32 $0x2A80  }
0xae: {  	[tilespmem:s6], [sflag:$0x1] =	stream.indirect.gather.add.f32 [hbm:s3], $0x80, s23, s5, $0xb8;
	[tilespmem:$0x19000] =	vst v63  }
0xaf: {  	s24 =	simm.s32 $0x2BC0  }
0xb0: {  	[tilespmem:s7], [sflag:$0x1] =	stream.indirect.gather.add.f32 [hbm:s3], $0x80, s24, s5, $0xb8;
	[tilespmem:$0x19000] =	vst v63  }
0xb1: {  	s25 =	simm.s32 $0x2D00  }
0xb2: {  	[tilespmem:s6], [sflag:$0x1] =	stream.indirect.gather.add.f32 [hbm:s3], $0x80, s25, s5, $0xb8;
	[tilespmem:$0x19000] =	vst v63  }
0xb3: {  	s26 =	simm.s32 $0x2E40  }
0xb4: {  	[tilespmem:s7], [sflag:$0x1] =	stream.indirect.gather.add.f32 [hbm:s3], $0x80, s26, s5, $0xb8;
	[tilespmem:$0x19000] =	vst v63  }
0xb5: {  	s28 =	simm.s32 $0x2F80  }
0xb6: {  	[tilespmem:s6], [sflag:$0x1] =	stream.indirect.gather.add.f32 [hbm:s3], $0x80, s28, s5, $0xb8;
	[tilespmem:$0x19000] =	vst v63  }
0xb7: {  	s29 =	simm.s32 $0x30C0  }
0xb8: {  	[tilespmem:s7], [sflag:$0x1] =	stream.indirect.gather.add.f32 [hbm:s3], $0x80, s29, s5, $0xb8;
	[tilespmem:$0x19000] =	vst v63  }
0xb9: {  	s30 =	simm.s32 $0x3200  }
0xba: {  	[tilespmem:s6], [sflag:$0x1] =	stream.indirect.gather.add.f32 [hbm:s3], $0x80, s30, s5, $0xb8;
	[tilespmem:$0x19000] =	vst v63  }
0xbb: {  	s31 =	simm.s32 $0x3340  }
0xbc: {  	[tilespmem:s7], [sflag:$0x1] =	stream.indirect.gather.add.f32 [hbm:s3], $0x80, s31, s5, $0xb8;
	[tilespmem:$0x19000] =	vst v63  }
0xbd: {  	s9 =	simm.s32 $0x3480  }
0xbe: {  	[tilespmem:s6], [sflag:$0x1] =	stream.indirect.gather.add.f32 [hbm:s3], $0x80, s9, s5, $0xb8;
	[tilespmem:$0x19000] =	vst v63  }
0xbf: {  	s10 =	simm.s32 $0x35C0  }
0xc0: {  	[tilespmem:s7], [sflag:$0x1] =	stream.indirect.gather.add.f32 [hbm:s3], $0x80, s10, s5, $0xb8;
	[tilespmem:$0x19000] =	vst v63  }
0xc1: {  	s11 =	simm.s32 $0x3700  }
0xc2: {  	[tilespmem:s6], [sflag:$0x1] =	stream.indirect.gather.add.f32 [hbm:s3], $0x80, s11, s5, $0xb8;
	[tilespmem:$0x19000] =	vst v63  }
0xc3: {  	s12 =	simm.s32 $0x3840  }
0xc4: {  	[tilespmem:s7], [sflag:$0x1] =	stream.indirect.gather.add.f32 [hbm:s3], $0x80, s12, s5, $0xb8;
	[tilespmem:$0x19000] =	vst v63  }
0xc5: {  	s13 =	simm.s32 $0x3980  }
0xc6: {  	[tilespmem:s6], [sflag:$0x1] =	stream.indirect.gather.add.f32 [hbm:s3], $0x80, s13, s5, $0xb8;
	[tilespmem:$0x19000] =	vst v63  }
0xc7: {  	s14 =	simm.s32 $0x3AC0  }
0xc8: {  	[tilespmem:s7], [sflag:$0x1] =	stream.indirect.gather.add.f32 [hbm:s3], $0x80, s14, s5, $0xb8;
	[tilespmem:$0x19000] =	vst v63  }
0xc9: {  	s15 =	simm.s32 $0x3C00  }
0xca: {  	[tilespmem:s6], [sflag:$0x1] =	stream.indirect.gather.add.f32 [hbm:s3], $0x80, s15, s5, $0xb8;
	[tilespmem:$0x19000] =	vst v63  }
0xcb: {  	s16 =	simm.s32 $0x3D40  }
0xcc: {  	[tilespmem:s7], [sflag:$0x1] =	stream.indirect.gather.add.f32 [hbm:s3], $0x80, s16, s5, $0xb8;
	[tilespmem:$0x19000] =	vst v63  }
0xcd: {  	s17 =	simm.s32 $0x3E80  }
0xce: {  	[tilespmem:s6], [sflag:$0x1] =	stream.indirect.gather.add.f32 [hbm:s3], $0x80, s17, s5, $0xb8;
	[tilespmem:$0x19000] =	vst v63  }
0xcf: {  	s18 =	simm.s32 $0x3FC0  }
0xd0: {  	[tilespmem:s7], [sflag:$0x1] =	stream.indirect.gather.add.f32 [hbm:s3], $0x80, s18, s5, $0xb8;
	[tilespmem:$0x19000] =	vst v63  }
0xd1: {  	s19 =	simm.s32 $0x4100  }
0xd2: {  	[tilespmem:s6], [sflag:$0x1] =	stream.indirect.gather.add.f32 [hbm:s3], $0x80, s19, s5, $0xb8;
	[tilespmem:$0x19000] =	vst v63  }
0xd3: {  	s20 =	simm.s32 $0x4240  }
0xd4: {  	[tilespmem:s7], [sflag:$0x1] =	stream.indirect.gather.add.f32 [hbm:s3], $0x80, s20, s5, $0xb8;
	[tilespmem:$0x19000] =	vst v63  }
0xd5: {  	s21 =	simm.s32 $0x4380  }
0xd6: {  	[tilespmem:s6], [sflag:$0x1] =	stream.indirect.gather.add.f32 [hbm:s3], $0x80, s21, s5, $0xb8;
	[tilespmem:$0x19000] =	vst v63  }
0xd7: {  	s22 =	simm.s32 $0x44C0  }
0xd8: {  	[tilespmem:s7], [sflag:$0x1] =	stream.indirect.gather.add.f32 [hbm:s3], $0x80, s22, s5, $0xb8;
	[tilespmem:$0x19000] =	vst v63  }
0xd9: {  	s23 =	simm.s32 $0x4600  }
0xda: {  	[tilespmem:s6], [sflag:$0x1] =	stream.indirect.gather.add.f32 [hbm:s3], $0x80, s23, s5, $0xb8;
	[tilespmem:$0x19000] =	vst v63  }
0xdb: {  	s24 =	simm.s32 $0x4740  }
0xdc: {  	[tilespmem:s7], [sflag:$0x1] =	stream.indirect.gather.add.f32 [hbm:s3], $0x80, s24, s5, $0xb8;
	[tilespmem:$0x19000] =	vst v63  }
0xdd: {  	s25 =	simm.s32 $0x4880  }
0xde: {  	[tilespmem:s6], [sflag:$0x1] =	stream.indirect.gather.add.f32 [hbm:s3], $0x80, s25, s5, $0xb8;
	[tilespmem:$0x19000] =	vst v63  }
0xdf: {  	s26 =	simm.s32 $0x49C0  }
0xe0: {  	[tilespmem:s7], [sflag:$0x1] =	stream.indirect.gather.add.f32 [hbm:s3], $0x80, s26, s5, $0xb8;
	[tilespmem:$0x19000] =	vst v63  }
0xe1: {  	s28 =	simm.s32 $0x4B00  }
0xe2: {  	[tilespmem:s6], [sflag:$0x1] =	stream.indirect.gather.add.f32 [hbm:s3], $0x80, s28, s5, $0xb8;
	[tilespmem:$0x19000] =	vst v63  }
0xe3: {  	s29 =	simm.s32 $0x4C40  }
0xe4: {  	[tilespmem:s7], [sflag:$0x1] =	stream.indirect.gather.add.f32 [hbm:s3], $0x80, s29, s5, $0xb8;
	[tilespmem:$0x19000] =	vst v63  }
0xe5: {  	s30 =	simm.s32 $0x4D80  }
0xe6: {  	[tilespmem:s6], [sflag:$0x1] =	stream.indirect.gather.add.f32 [hbm:s3], $0x80, s30, s5, $0xb8;
	[tilespmem:$0x19000] =	vst v63  }
0xe7: {  	s31 =	simm.s32 $0x4EC0  }
0xe8: {  	[tilespmem:s7], [sflag:$0x1] =	stream.indirect.gather.add.f32 [hbm:s3], $0x80, s31, s5, $0xb8;
	[tilespmem:$0x19000] =	vst v63  }
0xe9: {  	_ =	swait.ge [sflag:s4], $0xA000  }
0xea: {  	s3 =	simm.s32 $0x3D;
	[sflag:s4] =	ssyncset.done $0x0  }
.LBB2_4:
0xeb: {  	p0 =	sne.s32 s3, $0x1;
	s3 =	sadd.s32 $0xFFFFFFFF, s3;
	[sflag:s4] =	ssyncadd.s32 $0xFFFF6000  }
.Ltmp2:
0xec: {  	(pc) =	sbr.rel @p0 .LBB2_4-.Ltmp2, $3  }
0xed: {  	_ =	sdelay $0x1  }
0xee: {  	_ =	swait.ge [sflag:s4], $0xA000  }
0xef: {  	[sflag:s4] =	ssyncset.done $0x0  }
0xf0: {  	[sflag:s4] =	ssyncadd.s32 $0xFFFF6000  }
0xf1: {  	s3 =	simm.s32 $0x0;
	s30 =	simm.s32 $0x5000;
	s31 =	simm.s32 $0x2  }
0xf2: {  	[hbm4b:s2+s3] =	stream.linear.scatter [tilespmem:s30], [sflag:$0x2], $0x14000, $0x38;
	[tilespmem:$0x19000] =	vst v63  }
0xf3: {  	_ =	swait.ge [sflag:s31], $0x14000  }
0xf4: {  	[sflag:s31] =	ssyncset.done $0x0  }
0xf5: {  	[sflag:s31] =	ssyncadd.s32 $0xFFFEC000  }
.LBB2_6:
0xf6: {  	_ =	sfence.sel $0x180000  }
0xf7: {  	[bflag:$0x0] =	sbarrier.arrive $0xFFFF  }
0xf8: {  	p0 =	sne.s32 s1, $0x0;
	_ =	strace $0x90000047  }
0xf9: {  	s0 =	sadd.s32 @!p0 $0x100000, s0;
	[bflag:$0x2] =	sbarrier.arrive $0xFFFF  }
0xfa: {  	[sflag:s0] =	ssyncadd.tile.s32 @!p0 $0x1;
	_ =	shalt  }
.Lfunc_end2:
_tile_overlayer_lowered:
.L_overlay_start_2:
0xfb: {  	(tag) =	ssettag $0x2  }
0xfc: {  	s0 =	rddreg [dreg:$0x0];
	s2 =	stileid.u32  }
0xfd: {  	s1 =	rddreg [dreg:$0x1];
	p0 =	sne.s32 s2, $0x0  }
0xfe: {  	s3 =	rddreg [dreg:$0x2];
	[bflag:$0x3] =	sbarrier.arrive $0xFFFF;
	s2 =	simm.s32 @!p0 $0x1C02  }
0xff: {  	[timem:s3], [sflag:s2] =	dma.local @!p0 [hbm:s0], s1  }
0x100: {  	s0 =	simm.s32 @!p0 $0x2  }
0x101: {  	_ =	swait.ge @!p0 [sflag:s0], s1  }
0x102: {  	s1 =	ssub.s32 @!p0 $0x0, s1;
	[sflag:s0] =	ssyncset.done @!p0 $0x0  }
0x103: {  	[sflag:s0] =	ssyncadd.s32 @!p0 s1  }
0x104: {  	[bflag:$0x3] =	sbarrier.arrive $0xFFFF  }
0x105: {  	_ =	shalt  }

</sc_bundles>
